<compile_context>
chip_gen: v7x
topology: tpu7x:2x2x1
jax: 0.10.2.dev20260603
libtpu: 0.0.44.dev20260713+nightly
codegen_flags: <defaults>
</compile_context>

<pallas_src>
import functools

import jax
import jax.numpy as jnp
from jax import lax
from jax.experimental import pallas as pl
from jax.experimental.pallas import tpu as pltpu
from jax.experimental.pallas import tpu_sc as plsc

MARGIN = 1.0

_CHUNK = 4000
_NBUF = 8


def _scores_body(n_chunks, e_ref, u_ref, o_ref, bufs, sems):
    def start(i, slot):
        pltpu.make_async_copy(
            e_ref.at[pl.ds(i * _CHUNK, _CHUNK)], bufs.at[slot], sems.at[slot]
        ).start()

    for i in range(_NBUF):
        start(i, i)

    def step(i, carry):
        slot = lax.rem(i, _NBUF)
        pltpu.make_async_copy(
            e_ref.at[pl.ds(i * _CHUNK, _CHUNK)], bufs.at[slot], sems.at[slot]
        ).wait()
        res = lax.dot_general(
            u_ref[...], bufs[slot],
            dimension_numbers=(((1,), (1,)), ((), ())),
            preferred_element_type=jnp.float32,
        )
        o_ref[pl.ds(i, 1), :] = res

        nxt = i + _NBUF

        @pl.when(nxt < n_chunks)
        def _():
            start(nxt, slot)

        return carry

    lax.fori_loop(0, n_chunks, step, 0)


def _compute_scores(E, U):
    V, D = E.shape
    n_chunks = V // _CHUNK
    assert n_chunks * _CHUNK == V
    out = pl.pallas_call(
        functools.partial(_scores_body, n_chunks),
        in_specs=[
            pl.BlockSpec(memory_space=pl.ANY),
            pl.BlockSpec(memory_space=pltpu.VMEM),
        ],
        out_specs=pl.BlockSpec(memory_space=pltpu.VMEM),
        out_shape=jax.ShapeDtypeStruct((n_chunks, _CHUNK), jnp.float32),
        scratch_shapes=[
            pltpu.VMEM((_NBUF, _CHUNK, D), jnp.float32),
            pltpu.SemaphoreType.DMA((_NBUF,)),
        ],
    )(E, U)
    return out.reshape(V)


def _make_sc_loss(n_pairs, n_workers, margin):
    per_w = n_pairs // n_workers
    n_vec = per_w // 16
    mesh = plsc.VectorSubcoreMesh(core_axis_name="c", subcore_axis_name="s")

    @functools.partial(
        pl.kernel,
        out_type=jax.ShapeDtypeStruct((n_workers, 16), jnp.float32),
        mesh=mesh,
        scratch_types=[
            pltpu.VMEM((per_w,), jnp.int32),
            pltpu.VMEM((per_w,), jnp.int32),
            pltpu.VMEM((per_w,), jnp.float32),
            pltpu.VMEM((per_w,), jnp.float32),
            pltpu.VMEM((16,), jnp.float32),
            pltpu.SemaphoreType.DMA,
        ],
    )
    def sc_loss(scores_hbm, doc_hbm, neg_hbm, out_hbm,
                idx_d, idx_n, sd, sn, accv, sem):
        wid = lax.axis_index("s") * 2 + lax.axis_index("c")
        base = wid * per_w
        pltpu.sync_copy(doc_hbm.at[pl.ds(base, per_w)], idx_d)
        pltpu.sync_copy(neg_hbm.at[pl.ds(base, per_w)], idx_n)
        cp_d = pltpu.async_copy(scores_hbm.at[idx_d], sd, sem)
        cp_n = pltpu.async_copy(scores_hbm.at[idx_n], sn, sem)
        cp_d.wait()
        cp_n.wait()

        def body(i, acc):
            vd = sd[pl.ds(i * 16, 16)]
            vn = sn[pl.ds(i * 16, 16)]
            return acc + jnp.maximum(0.0, margin - (vd + vn))

        accv[...] = lax.fori_loop(0, n_vec, body,
                                  jnp.zeros((16,), jnp.float32))
        pltpu.sync_copy(accv, out_hbm.at[wid])

    return sc_loss


def kernel(E, U, doc, neg_samples):
    n_pairs = doc.shape[0] * doc.shape[1]
    scores = _compute_scores(E, U)
    sc_loss = _make_sc_loss(n_pairs, 32, MARGIN)
    partials = sc_loss(scores, doc.reshape(-1), neg_samples.reshape(-1))
    return jnp.sum(partials) / n_pairs

# --- scband reference (transcript-rebuilt; emitter-appended) ---
"""Pipeline reference for scband-user2-vec-46299747451326 (READ-ONLY COPY).

The authoritative reference and input builder live on the scoring server;
editing this copy changes nothing except your own understanding.
"""

import jax, jax.numpy as jnp
import numpy as np

VOCAB = 1000000
EMB_DIM = 64
MARGIN = 1.0


def setup_inputs(seed: int = 0) -> dict:
    key = jax.random.key(seed)
    k_e, k_u, k_doc, k_neg = jax.random.split(key, 4)
    E = jax.random.normal(k_e, (VOCAB, EMB_DIM), dtype=jnp.float32)
    initrange = 1.0 / EMB_DIM
    U = jax.random.uniform(k_u, (1, EMB_DIM), dtype=jnp.float32, minval=-initrange, maxval=initrange)
    doc = jax.random.randint(k_doc, (4096, 200), 0, VOCAB, dtype=jnp.int64 if jax.config.jax_enable_x64 else jnp.int32).astype(jnp.int32)
    neg_samples = jax.random.randint(k_neg, (4096, 200), 0, VOCAB, dtype=jnp.int32)
    return {"E": E, "U": U, "doc": doc, "neg_samples": neg_samples}


def reference(E, U, doc, neg_samples):
    # emb lookups (gather from pretrained table E and user table U)
    emb_doc = jnp.take(E, doc, axis=0)          # [B, L, d]
    emb_neg = jnp.take(E, neg_samples, axis=0)  # [B, L, d]
    emb_user = U                                 # [1, d] (index 0 of single-row table)
    logits = emb_doc @ emb_user.T                # [B, L, 1]
    neg_logits = emb_neg @ emb_user.T            # [B, L, 1]
    zero = jnp.zeros_like(logits)
    loss = jnp.maximum(zero, MARGIN - (logits + neg_logits))
    return loss.mean()

if __name__ == "__main__":
    import jax
    _d = setup_inputs()
    print(jax.jit(kernel)(*tuple(_d.values())))

</pallas_src>

<mosaic_0001>
#map = affine_map<(d0, d1) -> (0)>
#map1 = affine_map<(d0, d1) -> (0, 0)>
module attributes {stable_mosaic.version = 14 : i64} {
  func.func @sc_loss(%arg0: i32, %arg1: i32, %arg2: memref<1000000xf32, #tpu.memory_space<hbm>>, %arg3: memref<819200xi32, #tpu.memory_space<hbm>>, %arg4: memref<819200xi32, #tpu.memory_space<hbm>>, %arg5: memref<32x16xf32, #tpu.memory_space<hbm>>, %arg6: memref<25600xi32, #tpu.memory_space<vmem>>, %arg7: memref<25600xi32, #tpu.memory_space<vmem>>, %arg8: memref<25600xf32, #tpu.memory_space<vmem>>, %arg9: memref<25600xf32, #tpu.memory_space<vmem>>, %arg10: memref<16xf32, #tpu.memory_space<vmem>>, %arg11: memref<!tpu.dma_semaphore, #tpu.memory_space<semaphore_mem>>) attributes {dimension_semantics = [#tpu.dimension_semantics<core_parallel>, #tpu.dimension_semantics<subcore_parallel>], iteration_bounds = array<i64: 2, 16>, scalar_prefetch = 0 : i64, scratch_operands = 6 : i64, tpu.core_type = #tpu.core_type<sc_vector_subcore>, window_params = [{transform_indices = #map}, {transform_indices = #map}, {transform_indices = #map}, {transform_indices = #map1}]} {
    %mul3A = arith.constant 2 : i32
    %mul3A_0 = arith.muli %arg1, %mul3A : i32
    %add3A = arith.addi %mul3A_0, %arg0 : i32
    %mul3A_1 = arith.constant 25600 : i32
    %mul3A_2 = arith.muli %add3A, %mul3A_1 : i32
    "tpu.region"() ({
      %run_scoped3A = tpu.sem_alloc : memref<!tpu.dma_semaphore, #tpu.memory_space<semaphore_mem>>
      %dma_start3A_18 = tpu.memref_slice %arg3[%mul3A_2] : memref<819200xi32, #tpu.memory_space<hbm>> -> memref<25600xi32, #tpu.memory_space<hbm>>
      %dma_start3A_19 = tpu.memref_slice %arg3[%mul3A_2] : memref<819200xi32, #tpu.memory_space<hbm>> -> memref<25600xi32, #tpu.memory_space<hbm>>
      tpu.enqueue_dma source(%dma_start3A_19 : memref<25600xi32, #tpu.memory_space<hbm>>) target(%arg6 : memref<25600xi32, #tpu.memory_space<vmem>>) target_semaphore(%run_scoped3A : memref<!tpu.dma_semaphore, #tpu.memory_space<semaphore_mem>>)
      %dma_wait3A_20 = tpu.memref_slice %arg3[%mul3A_2] : memref<819200xi32, #tpu.memory_space<hbm>> -> memref<25600xi32, #tpu.memory_space<hbm>>
      %dma_wait3A_21 = tpu.memref_slice %arg3[%mul3A_2] : memref<819200xi32, #tpu.memory_space<hbm>> -> memref<25600xi32, #tpu.memory_space<hbm>>
      tpu.wait_dma2 semaphore(%run_scoped3A : memref<!tpu.dma_semaphore, #tpu.memory_space<semaphore_mem>>) src(%dma_wait3A_21 : memref<25600xi32, #tpu.memory_space<hbm>>) dst(%arg6 : memref<25600xi32, #tpu.memory_space<vmem>>)
      tpu.yield
    }) : () -> ()
    "tpu.region"() ({
      %run_scoped3A = tpu.sem_alloc : memref<!tpu.dma_semaphore, #tpu.memory_space<semaphore_mem>>
      %dma_start3A_18 = tpu.memref_slice %arg4[%mul3A_2] : memref<819200xi32, #tpu.memory_space<hbm>> -> memref<25600xi32, #tpu.memory_space<hbm>>
      %dma_start3A_19 = tpu.memref_slice %arg4[%mul3A_2] : memref<819200xi32, #tpu.memory_space<hbm>> -> memref<25600xi32, #tpu.memory_space<hbm>>
      tpu.enqueue_dma source(%dma_start3A_19 : memref<25600xi32, #tpu.memory_space<hbm>>) target(%arg7 : memref<25600xi32, #tpu.memory_space<vmem>>) target_semaphore(%run_scoped3A : memref<!tpu.dma_semaphore, #tpu.memory_space<semaphore_mem>>)
      %dma_wait3A_20 = tpu.memref_slice %arg4[%mul3A_2] : memref<819200xi32, #tpu.memory_space<hbm>> -> memref<25600xi32, #tpu.memory_space<hbm>>
      %dma_wait3A_21 = tpu.memref_slice %arg4[%mul3A_2] : memref<819200xi32, #tpu.memory_space<hbm>> -> memref<25600xi32, #tpu.memory_space<hbm>>
      tpu.wait_dma2 semaphore(%run_scoped3A : memref<!tpu.dma_semaphore, #tpu.memory_space<semaphore_mem>>) src(%dma_wait3A_21 : memref<25600xi32, #tpu.memory_space<hbm>>) dst(%arg7 : memref<25600xi32, #tpu.memory_space<vmem>>)
      tpu.yield
    }) : () -> ()
    %dma_start3A = arith.constant 0 : i32
    %dma_start3A_3 = tpu.memref_slice %arg2[%dma_start3A] : memref<1000000xf32, #tpu.memory_space<hbm>> -> memref<1000000xf32, #tpu.memory_space<hbm>>
    tpu.enqueue_indirect_dma source(%dma_start3A_3 : memref<1000000xf32, #tpu.memory_space<hbm>>) target(%arg8 : memref<25600xf32, #tpu.memory_space<vmem>>) offsets(%arg6 : memref<25600xi32, #tpu.memory_space<vmem>>) semaphore(%arg11 : memref<!tpu.dma_semaphore, #tpu.memory_space<semaphore_mem>>)
    %dma_start3A_4 = arith.constant 0 : i32
    %dma_start3A_5 = tpu.memref_slice %arg2[%dma_start3A_4] : memref<1000000xf32, #tpu.memory_space<hbm>> -> memref<1000000xf32, #tpu.memory_space<hbm>>
    tpu.enqueue_indirect_dma source(%dma_start3A_5 : memref<1000000xf32, #tpu.memory_space<hbm>>) target(%arg9 : memref<25600xf32, #tpu.memory_space<vmem>>) offsets(%arg7 : memref<25600xi32, #tpu.memory_space<vmem>>) semaphore(%arg11 : memref<!tpu.dma_semaphore, #tpu.memory_space<semaphore_mem>>)
    %dma_wait3A = arith.constant 0 : i32
    %dma_wait3A_6 = tpu.memref_slice %arg2[%dma_wait3A] : memref<1000000xf32, #tpu.memory_space<hbm>> -> memref<1000000xf32, #tpu.memory_space<hbm>>
    tpu.wait_indirect_dma semaphore(%arg11 : memref<!tpu.dma_semaphore, #tpu.memory_space<semaphore_mem>>) src(%dma_wait3A_6 : memref<1000000xf32, #tpu.memory_space<hbm>>) dst(%arg8 : memref<25600xf32, #tpu.memory_space<vmem>>)
    %dma_wait3A_7 = arith.constant 0 : i32
    %dma_wait3A_8 = tpu.memref_slice %arg2[%dma_wait3A_7] : memref<1000000xf32, #tpu.memory_space<hbm>> -> memref<1000000xf32, #tpu.memory_space<hbm>>
    tpu.wait_indirect_dma semaphore(%arg11 : memref<!tpu.dma_semaphore, #tpu.memory_space<semaphore_mem>>) src(%dma_wait3A_8 : memref<1000000xf32, #tpu.memory_space<hbm>>) dst(%arg9 : memref<25600xf32, #tpu.memory_space<vmem>>)
    %broadcast_in_dim3A = arith.constant 0.000000e+00 : f32
    %broadcast_in_dim3A_9 = vector.broadcast %broadcast_in_dim3A : f32 to vector<16xf32>
    %scan3A = arith.constant 0 : i32
    %scan3A_10 = arith.constant 1600 : i32
    %scan3A_11 = arith.addi %scan3A, %scan3A_10 : i32
    %scan3A_12 = arith.constant 1 : i32
    %scan3A_13 = scf.for %scan3A_18 = %scan3A to %scan3A_11 step %scan3A_12 iter_args(%scan3A_19 = %broadcast_in_dim3A_9) -> (vector<16xf32>)  : i32 {
      %mul3A_20 = arith.constant 16 : i32
      %mul3A_21 = arith.muli %scan3A_18, %mul3A_20 : i32
      %get3A = arith.index_cast %mul3A_21 : i32 to index
      %get3A_22 = tpu.vector_load %arg8[%get3A] {strides = array<i32>} : memref<25600xf32, #tpu.memory_space<vmem>>, vector<16xf32>,
      %get3A_23 = vector.shape_cast %get3A_22 : vector<16xf32> to vector<16xf32>
      %mul3A_24 = arith.constant 16 : i32
      %mul3A_25 = arith.muli %scan3A_18, %mul3A_24 : i32
      %get3A_26 = arith.index_cast %mul3A_25 : i32 to index
      %get3A_27 = tpu.vector_load %arg9[%get3A_26] {strides = array<i32>} : memref<25600xf32, #tpu.memory_space<vmem>>, vector<16xf32>,
      %get3A_28 = vector.shape_cast %get3A_27 : vector<16xf32> to vector<16xf32>
      %add3A_29 = arith.addf %get3A_23, %get3A_28 : vector<16xf32>
      %sub3A = arith.constant 1.000000e+00 : f32
      %sub3A_30 = vector.broadcast %sub3A : f32 to vector<16xf32>
      %sub3A_31 = arith.subf %sub3A_30, %add3A_29 : vector<16xf32>
      %max3A = arith.constant 0.000000e+00 : f32
      %max3A_32 = vector.broadcast %max3A : f32 to vector<16xf32>
      %max3A_33 = arith.maximumf %max3A_32, %sub3A_31 : vector<16xf32>
      %add3A_34 = arith.addf %scan3A_19, %max3A_33 : vector<16xf32>
      scf.yield %add3A_34 : vector<16xf32>
    }
    %scan3A_14 = arith.constant 1600 : i32
    %swap3A = arith.constant 0 : index
    %swap3A_15 = tpu.vector_load %arg10[%swap3A] {strides = array<i32>} : memref<16xf32, #tpu.memory_space<vmem>>, vector<16xf32>,
    %swap3A_16 = vector.shape_cast %swap3A_15 : vector<16xf32> to vector<16xf32>
    %swap3A_17 = vector.shape_cast %scan3A_13 : vector<16xf32> to vector<16xf32>
    tpu.vector_store %arg10[%swap3A], %swap3A_17 {strides = array<i32>} : memref<16xf32, #tpu.memory_space<vmem>>, vector<16xf32>,
    "tpu.region"() ({
      %run_scoped3A = tpu.sem_alloc : memref<!tpu.dma_semaphore, #tpu.memory_space<semaphore_mem>>
      %dma_start3A_18 = arith.constant 0 : i32
      %dma_start3A_19 = tpu.memref_slice %arg5[%add3A, %dma_start3A_18] : memref<32x16xf32, #tpu.memory_space<hbm>> -> memref<1x16xf32, #tpu.memory_space<hbm>>
      %dma_start3A_20 = tpu.memref_squeeze %dma_start3A_19 : memref<1x16xf32, #tpu.memory_space<hbm>> -> memref<16xf32, #tpu.memory_space<hbm>>
      %dma_start3A_21 = arith.constant 0 : i32
      %dma_start3A_22 = tpu.memref_slice %arg5[%add3A, %dma_start3A_21] : memref<32x16xf32, #tpu.memory_space<hbm>> -> memref<1x16xf32, #tpu.memory_space<hbm>>
      %dma_start3A_23 = tpu.memref_squeeze %dma_start3A_22 : memref<1x16xf32, #tpu.memory_space<hbm>> -> memref<16xf32, #tpu.memory_space<hbm>>
      tpu.enqueue_dma source(%arg10 : memref<16xf32, #tpu.memory_space<vmem>>) target(%dma_start3A_23 : memref<16xf32, #tpu.memory_space<hbm>>) target_semaphore(%run_scoped3A : memref<!tpu.dma_semaphore, #tpu.memory_space<semaphore_mem>>)
      %dma_wait3A_24 = arith.constant 0 : i32
      %dma_wait3A_25 = tpu.memref_slice %arg5[%add3A, %dma_wait3A_24] : memref<32x16xf32, #tpu.memory_space<hbm>> -> memref<1x16xf32, #tpu.memory_space<hbm>>
      %dma_wait3A_26 = tpu.memref_squeeze %dma_wait3A_25 : memref<1x16xf32, #tpu.memory_space<hbm>> -> memref<16xf32, #tpu.memory_space<hbm>>
      %dma_wait3A_27 = arith.constant 0 : i32
      %dma_wait3A_28 = tpu.memref_slice %arg5[%add3A, %dma_wait3A_27] : memref<32x16xf32, #tpu.memory_space<hbm>> -> memref<1x16xf32, #tpu.memory_space<hbm>>
      %dma_wait3A_29 = tpu.memref_squeeze %dma_wait3A_28 : memref<1x16xf32, #tpu.memory_space<hbm>> -> memref<16xf32, #tpu.memory_space<hbm>>
      tpu.wait_dma2 semaphore(%run_scoped3A : memref<!tpu.dma_semaphore, #tpu.memory_space<semaphore_mem>>) src(%arg10 : memref<16xf32, #tpu.memory_space<vmem>>) dst(%dma_wait3A_29 : memref<16xf32, #tpu.memory_space<hbm>>)
      tpu.yield
    }) : () -> ()
    return
  }
}

module attributes {stable_mosaic.version = 14 : i64} {
  func.func @_scores_body(%arg0: memref<1000000x64xf32, #tpu.memory_space<any>>, %arg1: memref<1x64xf32, #tpu.memory_space<vmem>>, %arg2: memref<250x4000xf32, #tpu.memory_space<vmem>>, %arg3: memref<8x4000x64xf32, #tpu.memory_space<vmem>>, %arg4: memref<8x!tpu.dma_semaphore, #tpu.memory_space<semaphore_mem>>) attributes {dimension_semantics = [], scalar_prefetch = 0 : i64, scratch_operands = 2 : i64, tpu.core_type = #tpu.core_type<tc>} {
    %dma_start3A = arith.constant 0 : i32
    %dma_start3A_0 = arith.constant 0 : i32
    %dma_start3A_1 = tpu.memref_slice %arg4[%dma_start3A_0] : memref<8x!tpu.dma_semaphore, #tpu.memory_space<semaphore_mem>> -> memref<1x!tpu.dma_semaphore, #tpu.memory_space<semaphore_mem>>
    %dma_start3A_2 = tpu.memref_squeeze %dma_start3A_1 : memref<1x!tpu.dma_semaphore, #tpu.memory_space<semaphore_mem>> -> memref<!tpu.dma_semaphore, #tpu.memory_space<semaphore_mem>>
    %dma_start3A_3 = arith.constant 0 : i32
    %dma_start3A_4 = arith.constant 0 : i32
    %dma_start3A_5 = tpu.memref_slice %arg3[%dma_start3A, %dma_start3A_3, %dma_start3A_4] : memref<8x4000x64xf32, #tpu.memory_space<vmem>> -> memref<1x4000x64xf32, #tpu.memory_space<vmem>>
    %dma_start3A_6 = tpu.memref_squeeze %dma_start3A_5 : memref<1x4000x64xf32, #tpu.memory_space<vmem>> -> memref<4000x64xf32, #tpu.memory_space<vmem>>
    %dma_start3A_7 = arith.constant 0 : i32
    %dma_start3A_8 = arith.constant 0 : i32
    %dma_start3A_9 = tpu.memref_slice %arg0[%dma_start3A_7, %dma_start3A_8] : memref<1000000x64xf32, #tpu.memory_space<any>> -> memref<4000x64xf32, #tpu.memory_space<any>>
    tpu.enqueue_dma source(%dma_start3A_9 : memref<4000x64xf32, #tpu.memory_space<any>>) target(%dma_start3A_6 : memref<4000x64xf32, #tpu.memory_space<vmem>>) target_semaphore(%dma_start3A_2 : memref<!tpu.dma_semaphore, #tpu.memory_space<semaphore_mem>>)
    %dma_start3A_10 = arith.constant 1 : i32
    %dma_start3A_11 = arith.constant 1 : i32
    %dma_start3A_12 = tpu.memref_slice %arg4[%dma_start3A_11] : memref<8x!tpu.dma_semaphore, #tpu.memory_space<semaphore_mem>> -> memref<1x!tpu.dma_semaphore, #tpu.memory_space<semaphore_mem>>
    %dma_start3A_13 = tpu.memref_squeeze %dma_start3A_12 : memref<1x!tpu.dma_semaphore, #tpu.memory_space<semaphore_mem>> -> memref<!tpu.dma_semaphore, #tpu.memory_space<semaphore_mem>>
    %dma_start3A_14 = arith.constant 0 : i32
    %dma_start3A_15 = arith.constant 0 : i32
    %dma_start3A_16 = tpu.memref_slice %arg3[%dma_start3A_10, %dma_start3A_14, %dma_start3A_15] : memref<8x4000x64xf32, #tpu.memory_space<vmem>> -> memref<1x4000x64xf32, #tpu.memory_space<vmem>>
    %dma_start3A_17 = tpu.memref_squeeze %dma_start3A_16 : memref<1x4000x64xf32, #tpu.memory_space<vmem>> -> memref<4000x64xf32, #tpu.memory_space<vmem>>
    %dma_start3A_18 = arith.constant 4000 : i32
    %dma_start3A_19 = arith.constant 0 : i32
    %dma_start3A_20 = tpu.memref_slice %arg0[%dma_start3A_18, %dma_start3A_19] : memref<1000000x64xf32, #tpu.memory_space<any>> -> memref<4000x64xf32, #tpu.memory_space<any>>
    tpu.enqueue_dma source(%dma_start3A_20 : memref<4000x64xf32, #tpu.memory_space<any>>) target(%dma_start3A_17 : memref<4000x64xf32, #tpu.memory_space<vmem>>) target_semaphore(%dma_start3A_13 : memref<!tpu.dma_semaphore, #tpu.memory_space<semaphore_mem>>)
    %dma_start3A_21 = arith.constant 2 : i32
    %dma_start3A_22 = arith.constant 2 : i32
    %dma_start3A_23 = tpu.memref_slice %arg4[%dma_start3A_22] : memref<8x!tpu.dma_semaphore, #tpu.memory_space<semaphore_mem>> -> memref<1x!tpu.dma_semaphore, #tpu.memory_space<semaphore_mem>>
    %dma_start3A_24 = tpu.memref_squeeze %dma_start3A_23 : memref<1x!tpu.dma_semaphore, #tpu.memory_space<semaphore_mem>> -> memref<!tpu.dma_semaphore, #tpu.memory_space<semaphore_mem>>
    %dma_start3A_25 = arith.constant 0 : i32
    %dma_start3A_26 = arith.constant 0 : i32
    %dma_start3A_27 = tpu.memref_slice %arg3[%dma_start3A_21, %dma_start3A_25, %dma_start3A_26] : memref<8x4000x64xf32, #tpu.memory_space<vmem>> -> memref<1x4000x64xf32, #tpu.memory_space<vmem>>
    %dma_start3A_28 = tpu.memref_squeeze %dma_start3A_27 : memref<1x4000x64xf32, #tpu.memory_space<vmem>> -> memref<4000x64xf32, #tpu.memory_space<vmem>>
    %dma_start3A_29 = arith.constant 8000 : i32
    %dma_start3A_30 = arith.constant 0 : i32
    %dma_start3A_31 = tpu.memref_slice %arg0[%dma_start3A_29, %dma_start3A_30] : memref<1000000x64xf32, #tpu.memory_space<any>> -> memref<4000x64xf32, #tpu.memory_space<any>>
    tpu.enqueue_dma source(%dma_start3A_31 : memref<4000x64xf32, #tpu.memory_space<any>>) target(%dma_start3A_28 : memref<4000x64xf32, #tpu.memory_space<vmem>>) target_semaphore(%dma_start3A_24 : memref<!tpu.dma_semaphore, #tpu.memory_space<semaphore_mem>>)
    %dma_start3A_32 = arith.constant 3 : i32
    %dma_start3A_33 = arith.constant 3 : i32
    %dma_start3A_34 = tpu.memref_slice %arg4[%dma_start3A_33] : memref<8x!tpu.dma_semaphore, #tpu.memory_space<semaphore_mem>> -> memref<1x!tpu.dma_semaphore, #tpu.memory_space<semaphore_mem>>
    %dma_start3A_35 = tpu.memref_squeeze %dma_start3A_34 : memref<1x!tpu.dma_semaphore, #tpu.memory_space<semaphore_mem>> -> memref<!tpu.dma_semaphore, #tpu.memory_space<semaphore_mem>>
    %dma_start3A_36 = arith.constant 0 : i32
    %dma_start3A_37 = arith.constant 0 : i32
    %dma_start3A_38 = tpu.memref_slice %arg3[%dma_start3A_32, %dma_start3A_36, %dma_start3A_37] : memref<8x4000x64xf32, #tpu.memory_space<vmem>> -> memref<1x4000x64xf32, #tpu.memory_space<vmem>>
    %dma_start3A_39 = tpu.memref_squeeze %dma_start3A_38 : memref<1x4000x64xf32, #tpu.memory_space<vmem>> -> memref<4000x64xf32, #tpu.memory_space<vmem>>
    %dma_start3A_40 = arith.constant 12000 : i32
    %dma_start3A_41 = arith.constant 0 : i32
    %dma_start3A_42 = tpu.memref_slice %arg0[%dma_start3A_40, %dma_start3A_41] : memref<1000000x64xf32, #tpu.memory_space<any>> -> memref<4000x64xf32, #tpu.memory_space<any>>
    tpu.enqueue_dma source(%dma_start3A_42 : memref<4000x64xf32, #tpu.memory_space<any>>) target(%dma_start3A_39 : memref<4000x64xf32, #tpu.memory_space<vmem>>) target_semaphore(%dma_start3A_35 : memref<!tpu.dma_semaphore, #tpu.memory_space<semaphore_mem>>)
    %dma_start3A_43 = arith.constant 4 : i32
    %dma_start3A_44 = arith.constant 4 : i32
    %dma_start3A_45 = tpu.memref_slice %arg4[%dma_start3A_44] : memref<8x!tpu.dma_semaphore, #tpu.memory_space<semaphore_mem>> -> memref<1x!tpu.dma_semaphore, #tpu.memory_space<semaphore_mem>>
    %dma_start3A_46 = tpu.memref_squeeze %dma_start3A_45 : memref<1x!tpu.dma_semaphore, #tpu.memory_space<semaphore_mem>> -> memref<!tpu.dma_semaphore, #tpu.memory_space<semaphore_mem>>
    %dma_start3A_47 = arith.constant 0 : i32
    %dma_start3A_48 = arith.constant 0 : i32
    %dma_start3A_49 = tpu.memref_slice %arg3[%dma_start3A_43, %dma_start3A_47, %dma_start3A_48] : memref<8x4000x64xf32, #tpu.memory_space<vmem>> -> memref<1x4000x64xf32, #tpu.memory_space<vmem>>
    %dma_start3A_50 = tpu.memref_squeeze %dma_start3A_49 : memref<1x4000x64xf32, #tpu.memory_space<vmem>> -> memref<4000x64xf32, #tpu.memory_space<vmem>>
    %dma_start3A_51 = arith.constant 16000 : i32
    %dma_start3A_52 = arith.constant 0 : i32
    %dma_start3A_53 = tpu.memref_slice %arg0[%dma_start3A_51, %dma_start3A_52] : memref<1000000x64xf32, #tpu.memory_space<any>> -> memref<4000x64xf32, #tpu.memory_space<any>>
    tpu.enqueue_dma source(%dma_start3A_53 : memref<4000x64xf32, #tpu.memory_space<any>>) target(%dma_start3A_50 : memref<4000x64xf32, #tpu.memory_space<vmem>>) target_semaphore(%dma_start3A_46 : memref<!tpu.dma_semaphore, #tpu.memory_space<semaphore_mem>>)
    %dma_start3A_54 = arith.constant 5 : i32
    %dma_start3A_55 = arith.constant 5 : i32
    %dma_start3A_56 = tpu.memref_slice %arg4[%dma_start3A_55] : memref<8x!tpu.dma_semaphore, #tpu.memory_space<semaphore_mem>> -> memref<1x!tpu.dma_semaphore, #tpu.memory_space<semaphore_mem>>
    %dma_start3A_57 = tpu.memref_squeeze %dma_start3A_56 : memref<1x!tpu.dma_semaphore, #tpu.memory_space<semaphore_mem>> -> memref<!tpu.dma_semaphore, #tpu.memory_space<semaphore_mem>>
    %dma_start3A_58 = arith.constant 0 : i32
    %dma_start3A_59 = arith.constant 0 : i32
    %dma_start3A_60 = tpu.memref_slice %arg3[%dma_start3A_54, %dma_start3A_58, %dma_start3A_59] : memref<8x4000x64xf32, #tpu.memory_space<vmem>> -> memref<1x4000x64xf32, #tpu.memory_space<vmem>>
    %dma_start3A_61 = tpu.memref_squeeze %dma_start3A_60 : memref<1x4000x64xf32, #tpu.memory_space<vmem>> -> memref<4000x64xf32, #tpu.memory_space<vmem>>
    %dma_start3A_62 = arith.constant 20000 : i32
    %dma_start3A_63 = arith.constant 0 : i32
    %dma_start3A_64 = tpu.memref_slice %arg0[%dma_start3A_62, %dma_start3A_63] : memref<1000000x64xf32, #tpu.memory_space<any>> -> memref<4000x64xf32, #tpu.memory_space<any>>
    tpu.enqueue_dma source(%dma_start3A_64 : memref<4000x64xf32, #tpu.memory_space<any>>) target(%dma_start3A_61 : memref<4000x64xf32, #tpu.memory_space<vmem>>) target_semaphore(%dma_start3A_57 : memref<!tpu.dma_semaphore, #tpu.memory_space<semaphore_mem>>)
    %dma_start3A_65 = arith.constant 6 : i32
    %dma_start3A_66 = arith.constant 6 : i32
    %dma_start3A_67 = tpu.memref_slice %arg4[%dma_start3A_66] : memref<8x!tpu.dma_semaphore, #tpu.memory_space<semaphore_mem>> -> memref<1x!tpu.dma_semaphore, #tpu.memory_space<semaphore_mem>>
    %dma_start3A_68 = tpu.memref_squeeze %dma_start3A_67 : memref<1x!tpu.dma_semaphore, #tpu.memory_space<semaphore_mem>> -> memref<!tpu.dma_semaphore, #tpu.memory_space<semaphore_mem>>
    %dma_start3A_69 = arith.constant 0 : i32
    %dma_start3A_70 = arith.constant 0 : i32
    %dma_start3A_71 = tpu.memref_slice %arg3[%dma_start3A_65, %dma_start3A_69, %dma_start3A_70] : memref<8x4000x64xf32, #tpu.memory_space<vmem>> -> memref<1x4000x64xf32, #tpu.memory_space<vmem>>
    %dma_start3A_72 = tpu.memref_squeeze %dma_start3A_71 : memref<1x4000x64xf32, #tpu.memory_space<vmem>> -> memref<4000x64xf32, #tpu.memory_space<vmem>>
    %dma_start3A_73 = arith.constant 24000 : i32
    %dma_start3A_74 = arith.constant 0 : i32
    %dma_start3A_75 = tpu.memref_slice %arg0[%dma_start3A_73, %dma_start3A_74] : memref<1000000x64xf32, #tpu.memory_space<any>> -> memref<4000x64xf32, #tpu.memory_space<any>>
    tpu.enqueue_dma source(%dma_start3A_75 : memref<4000x64xf32, #tpu.memory_space<any>>) target(%dma_start3A_72 : memref<4000x64xf32, #tpu.memory_space<vmem>>) target_semaphore(%dma_start3A_68 : memref<!tpu.dma_semaphore, #tpu.memory_space<semaphore_mem>>)
    %dma_start3A_76 = arith.constant 7 : i32
    %dma_start3A_77 = arith.constant 7 : i32
    %dma_start3A_78 = tpu.memref_slice %arg4[%dma_start3A_77] : memref<8x!tpu.dma_semaphore, #tpu.memory_space<semaphore_mem>> -> memref<1x!tpu.dma_semaphore, #tpu.memory_space<semaphore_mem>>
    %dma_start3A_79 = tpu.memref_squeeze %dma_start3A_78 : memref<1x!tpu.dma_semaphore, #tpu.memory_space<semaphore_mem>> -> memref<!tpu.dma_semaphore, #tpu.memory_space<semaphore_mem>>
    %dma_start3A_80 = arith.constant 0 : i32
    %dma_start3A_81 = arith.constant 0 : i32
    %dma_start3A_82 = tpu.memref_slice %arg3[%dma_start3A_76, %dma_start3A_80, %dma_start3A_81] : memref<8x4000x64xf32, #tpu.memory_space<vmem>> -> memref<1x4000x64xf32, #tpu.memory_space<vmem>>
    %dma_start3A_83 = tpu.memref_squeeze %dma_start3A_82 : memref<1x4000x64xf32, #tpu.memory_space<vmem>> -> memref<4000x64xf32, #tpu.memory_space<vmem>>
    %dma_start3A_84 = arith.constant 28000 : i32
    %dma_start3A_85 = arith.constant 0 : i32
    %dma_start3A_86 = tpu.memref_slice %arg0[%dma_start3A_84, %dma_start3A_85] : memref<1000000x64xf32, #tpu.memory_space<any>> -> memref<4000x64xf32, #tpu.memory_space<any>>
    tpu.enqueue_dma source(%dma_start3A_86 : memref<4000x64xf32, #tpu.memory_space<any>>) target(%dma_start3A_83 : memref<4000x64xf32, #tpu.memory_space<vmem>>) target_semaphore(%dma_start3A_79 : memref<!tpu.dma_semaphore, #tpu.memory_space<semaphore_mem>>)
    %scan3A = arith.constant 0 : i32
    %scan3A_87 = arith.constant 250 : i32
    %scan3A_88 = arith.addi %scan3A, %scan3A_87 : i32
    %scan3A_89 = arith.constant 1 : i32
    scf.for %scan3A_91 = %scan3A to %scan3A_88 step %scan3A_89  : i32 {
      %rem3A = arith.constant 8 : i32
      %rem3A_92 = arith.remsi %scan3A_91, %rem3A : i32
      %mul3A = arith.constant 4000 : i32
      %mul3A_93 = arith.muli %scan3A_91, %mul3A : i32
      %dma_wait3A = tpu.memref_slice %arg4[%rem3A_92] : memref<8x!tpu.dma_semaphore, #tpu.memory_space<semaphore_mem>> -> memref<1x!tpu.dma_semaphore, #tpu.memory_space<semaphore_mem>>
      %dma_wait3A_94 = tpu.memref_squeeze %dma_wait3A : memref<1x!tpu.dma_semaphore, #tpu.memory_space<semaphore_mem>> -> memref<!tpu.dma_semaphore, #tpu.memory_space<semaphore_mem>>
      %dma_wait3A_95 = arith.constant 0 : i32
      %dma_wait3A_96 = arith.constant 0 : i32
      %dma_wait3A_97 = tpu.memref_slice %arg3[%rem3A_92, %dma_wait3A_95, %dma_wait3A_96] : memref<8x4000x64xf32, #tpu.memory_space<vmem>> -> memref<1x4000x64xf32, #tpu.memory_space<vmem>>
      %dma_wait3A_98 = tpu.memref_squeeze %dma_wait3A_97 : memref<1x4000x64xf32, #tpu.memory_space<vmem>> -> memref<4000x64xf32, #tpu.memory_space<vmem>>
      %dma_wait3A_99 = arith.constant 0 : i32
      %dma_wait3A_100 = tpu.memref_slice %arg0[%mul3A_93, %dma_wait3A_99] : memref<1000000x64xf32, #tpu.memory_space<any>> -> memref<4000x64xf32, #tpu.memory_space<any>>
      tpu.wait_dma2 semaphore(%dma_wait3A_94 : memref<!tpu.dma_semaphore, #tpu.memory_space<semaphore_mem>>) src(%dma_wait3A_100 : memref<4000x64xf32, #tpu.memory_space<any>>) dst(%dma_wait3A_98 : memref<4000x64xf32, #tpu.memory_space<vmem>>)
      %get3A = arith.constant 0 : index
      %get3A_101 = arith.constant 0 : index
      %get3A_102 = vector.load %arg1[%get3A, %get3A_101] : memref<1x64xf32, #tpu.memory_space<vmem>>, vector<1x64xf32>
      %get3A_103 = arith.index_cast %rem3A_92 : i32 to index
      %get3A_104 = arith.constant 0 : index
      %get3A_105 = arith.constant 0 : index
      %get3A_106 = vector.load %arg3[%get3A_103, %get3A_104, %get3A_105] : memref<8x4000x64xf32, #tpu.memory_space<vmem>>, vector<1x4000x64xf32>
      %get3A_107 = vector.shape_cast %get3A_106 : vector<1x4000x64xf32> to vector<4000x64xf32>
      %dot_general3A = arith.constant dense<0.000000e+00> : vector<1x4000xf32>
      %dot_general3A_108 = tpu.matmul %get3A_102, %get3A_107, %dot_general3A {dimension_numbers = #tpu.dot_dimension_numbers<[1], [1], [0], [0], [0, 0, 1, 0], [], []>, transpose_lhs_hint = false} : vector<1x64xf32>, vector<4000x64xf32>, vector<1x4000xf32> -> vector<1x4000xf32>
      %swap3A = arith.index_cast %scan3A_91 : i32 to index
      %swap3A_109 = arith.constant 0 : index
      %swap3A_110 = vector.load %arg2[%swap3A, %swap3A_109] : memref<250x4000xf32, #tpu.memory_space<vmem>>, vector<1x4000xf32>
      tpu.vector_store %arg2[%swap3A, %swap3A_109], %dot_general3A_108 {strides = array<i32>} : memref<250x4000xf32, #tpu.memory_space<vmem>>, vector<1x4000xf32>,
      %add3A = arith.constant 8 : i32
      %add3A_111 = arith.addi %scan3A_91, %add3A : i32
      %lt3A = arith.constant 250 : i32
      %lt3A_112 = arith.cmpi slt, %add3A_111, %lt3A : i32
      %convert_element_type3A = arith.extui %lt3A_112 : i1 to i32
      %cond3A = arith.constant 0 : i32
      %cond3A_113 = arith.cmpi ne, %convert_element_type3A, %cond3A : i32
      scf.if %cond3A_113 {
        %mul3A_114 = arith.constant 4000 : i32
        %mul3A_115 = arith.muli %add3A_111, %mul3A_114 : i32
        %dma_start3A_116 = tpu.memref_slice %arg4[%rem3A_92] : memref<8x!tpu.dma_semaphore, #tpu.memory_space<semaphore_mem>> -> memref<1x!tpu.dma_semaphore, #tpu.memory_space<semaphore_mem>>
        %dma_start3A_117 = tpu.memref_squeeze %dma_start3A_116 : memref<1x!tpu.dma_semaphore, #tpu.memory_space<semaphore_mem>> -> memref<!tpu.dma_semaphore, #tpu.memory_space<semaphore_mem>>
        %dma_start3A_118 = arith.constant 0 : i32
        %dma_start3A_119 = arith.constant 0 : i32
        %dma_start3A_120 = tpu.memref_slice %arg3[%rem3A_92, %dma_start3A_118, %dma_start3A_119] : memref<8x4000x64xf32, #tpu.memory_space<vmem>> -> memref<1x4000x64xf32, #tpu.memory_space<vmem>>
        %dma_start3A_121 = tpu.memref_squeeze %dma_start3A_120 : memref<1x4000x64xf32, #tpu.memory_space<vmem>> -> memref<4000x64xf32, #tpu.memory_space<vmem>>
        %dma_start3A_122 = arith.constant 0 : i32
        %dma_start3A_123 = tpu.memref_slice %arg0[%mul3A_115, %dma_start3A_122] : memref<1000000x64xf32, #tpu.memory_space<any>> -> memref<4000x64xf32, #tpu.memory_space<any>>
        tpu.enqueue_dma source(%dma_start3A_123 : memref<4000x64xf32, #tpu.memory_space<any>>) target(%dma_start3A_121 : memref<4000x64xf32, #tpu.memory_space<vmem>>) target_semaphore(%dma_start3A_117 : memref<!tpu.dma_semaphore, #tpu.memory_space<semaphore_mem>>)
      } else {
      }
    }
    %scan3A_90 = arith.constant 250 : i32
    return
  }
}

</mosaic_0001>

<sc_bundles>
// kernel: kernel.4.cloned.1.call-start
scs
__scs_entry_jumppad:
0x0: {  	(pc) =	sbr.rel $0x88, $3  }
0x1: {  	(tag) =	ssettag $0x0;
	lr =	simm.s32 $0x1  }
0x2: {  	[smem:$0x3F9D] =	sst lr;
	_ =	strace $0xD0000000  }
0x3: {  	_ = 	snop  }
0x4: {  	_ = 	snop  }
0x5: {  	_ = 	snop  }
0x6: {  	_ = 	snop  }
0x7: {  	_ = 	snop  }
__scs_overlays_trampoline_lowered:
0x8: {  	[smem:$0x3FAC] =	sst s0  }
0x9: {  	[smem:$0x3FAD] =	sst s1  }
0xa: {  	[smem:$0x3FAE] =	sst s2  }
0xb: {  	[smem:$0x3FAF] =	sst s3  }
0xc: {  	[smem:$0x3FB0] =	sst s4  }
0xd: {  	[smem:$0x3FB1] =	sst s5  }
0xe: {  	[smem:$0x3FB2] =	sst s6  }
0xf: {  	[smem:$0x3FB3] =	sst s7  }
0x10: {  	[smem:$0x3FB4] =	sst s8  }
0x11: {  	[smem:$0x3FB5] =	sst s9;
	s0 =	simm.s32 @!p0 $0x0  }
0x12: {  	s1 =	sld [smem:$0x3F9B];
	s0 =	simm.s32 @p0 $0x1  }
0x13: {  	[smem:$0x3FB6] =	sst s0;
	s0 =	simm.s32 @!p1 $0x0  }
0x14: {  	s2 =	sld [smem:$0x3F9A];
	s0 =	simm.s32 @p1 $0x1  }
0x15: {  	[smem:$0x3FB7] =	sst s0;
	s0 =	simm.s32 @!p2 $0x0  }
0x16: {  	s3 =	sld [smem:$0x3FDB];
	s0 =	simm.s32 @p2 $0x1  }
0x17: {  	s4 =	simm.s32 $0x1BF5;
	[smem:$0x3FB9] =	sst s0  }
0x18: {  	s0 =	sld [smem:$0x3F9C];
	_ =	swait.ge [sflag:s4], $0x0  }
0x19: {  	s7 =	sld [smem:$0x3F9D]  }
0x1a: {  	s8 =	sadd.s32 $0xFFFFE003, lr  }
0x1b: {  	s9 =	sadd.s32 $0xFFFFFEF7, lr;
	s5 =	simm.s32 $0xFFFFFFFF;
	p2 =	slt.u32 s8, $0xFFFFF086  }
0x1c: {  	p1 =	slt.u32 s9, $0xF7A;
	s5 =	simm.s32 @!p2 $0x0  }
0x1d: {  	s5 =	simm.s32 @p1 $0x1;
	p0 =	seq.s32 s7, s2  }
0x1e: {  	s7 =	smul.u32 @!p0 $0xF7A, s2;
	p2 =	seq.s32 @!p0 s5, $0x0  }
0x1f: {  	s9 =	smul.u32 $0xF7A, s1;
	s8 =	simm.s32 @!p0 $0x1BF5;
	p2 =	por !p2, p0  }
0x20: {  	[sflag:s8] =	ssyncset.s32 @!p0 $0xFFFFF086;
	s6 =	sadd.s32 @!p0 s3, s7;
	s7 =	simm.s32 @!p0 $0x108  }
0x21: {  	s3 =	sadd.s32 s3, s9;
	s6 =	sadd.s32 @!p0 $0x88, s6;
	s7 =	simm.s32 @p2 $0x1082  }
0x22: {  	[simem:s7], [sflag:s8] =	dma.local @!p0 [hbm:s6], $0xF7A  }
0x23: {  	s9 =	sor.u32 $0xD0000000, s2;
	s6 =	simm.s32 $0x108;
	_ =	swait.ge @!p0 [sflag:s8], $0x0  }
0x24: {  	s3 =	sadd.s32 $0x88, s3;
	s6 =	simm.s32 @!p1 $0x1082;
	[sflag:s4] =	ssyncset.s32 $0xFFFFF086  }
0x25: {  	[simem:s6], [sflag:s4] =	dma.local [hbm:s3], $0xF7A  }
0x26: {  	[smem:$0x3F9D] =	sst s1;
	(tag) =	ssettag s2;
	_ =	strace s9  }
0x27: {  	s1 =	sld [smem:$0x3FAD]  }
0x28: {  	s2 =	sld [smem:$0x3FAE]  }
0x29: {  	s4 =	sld [smem:$0x3FB0]  }
0x2a: {  	p0 =	seq.s32 s5, $0x0;
	s5 =	sld [smem:$0x3FB1]  }
0x2b: {  	s6 =	sld [smem:$0x3FB2]  }
0x2c: {  	s7 =	sld [smem:$0x3FB3]  }
0x2d: {  	s3 =	simm.s32 $0x108;
	s8 =	sld [smem:$0x3FB4]  }
0x2e: {  	s3 =	simm.s32 @!p0 $0x1082;
	s9 =	sld [smem:$0x3FB5]  }
0x2f: {  	lr =	sadd.s32 s0, s3;
	s0 =	sld [smem:$0x3FAC]  }
0x30: {  	s3 =	sld [smem:$0x3FAF]  }
0x31: {  	[smem:$0x3FB8] =	sst s10  }
0x32: {  	s10 =	sld [smem:$0x3FB6];
	_ =	sdelay $0x3  }
0x33: {  	p0 =	seq.s32 s10, $0x1;
	s10 =	sld [smem:$0x3FB8];
	_ =	sdelay $0x3  }
0x34: {  	[smem:$0x3FB8] =	sst s10  }
0x35: {  	s10 =	sld [smem:$0x3FB7];
	_ =	sdelay $0x3  }
0x36: {  	p1 =	seq.s32 s10, $0x1;
	s10 =	sld [smem:$0x3FB8];
	_ =	sdelay $0x3  }
0x37: {  	[smem:$0x3FB8] =	sst s10  }
0x38: {  	s10 =	sld [smem:$0x3FB9]  }
0x39: {  	_ = 	snop;
	(pc) =	sbr.ind lr, $3  }
0x3a: {  	_ = 	snop  }
0x3b: {  	_ = 	snop  }
0x3c: {  	p2 =	seq.s32 s10, $0x1;
	s10 =	sld [smem:$0x3FB8]  }
0x3d: {  	_ =	shalt  }
0x3e: {  	_ =	shalt  }
0x3f: {  	_ =	shalt  }
0x40: {  	_ =	shalt  }
0x41: {  	_ =	shalt  }
0x42: {  	_ =	shalt  }
0x43: {  	_ =	shalt  }
0x44: {  	_ =	shalt  }
0x45: {  	_ =	shalt  }
0x46: {  	_ =	shalt  }
0x47: {  	_ =	shalt  }
0x48: {  	_ =	shalt  }
0x49: {  	_ =	shalt  }
0x4a: {  	_ =	shalt  }
0x4b: {  	_ =	shalt  }
0x4c: {  	_ =	shalt  }
0x4d: {  	_ =	shalt  }
0x4e: {  	_ =	shalt  }
0x4f: {  	_ =	shalt  }
0x50: {  	_ =	shalt  }
0x51: {  	_ =	shalt  }
0x52: {  	_ =	shalt  }
0x53: {  	_ =	shalt  }
0x54: {  	_ =	shalt  }
0x55: {  	_ =	shalt  }
0x56: {  	_ =	shalt  }
0x57: {  	_ =	shalt  }
0x58: {  	_ =	shalt  }
0x59: {  	_ =	shalt  }
0x5a: {  	_ =	shalt  }
0x5b: {  	_ =	shalt  }
0x5c: {  	_ =	shalt  }
0x5d: {  	_ =	shalt  }
0x5e: {  	_ =	shalt  }
0x5f: {  	_ =	shalt  }
0x60: {  	_ =	shalt  }
0x61: {  	_ =	shalt  }
0x62: {  	_ =	shalt  }
0x63: {  	_ =	shalt  }
0x64: {  	_ =	shalt  }
0x65: {  	_ =	shalt  }
0x66: {  	_ =	shalt  }
0x67: {  	_ =	shalt  }
0x68: {  	_ =	shalt  }
0x69: {  	_ =	shalt  }
0x6a: {  	_ =	shalt  }
0x6b: {  	_ =	shalt  }
0x6c: {  	_ =	shalt  }
0x6d: {  	_ =	shalt  }
0x6e: {  	_ =	shalt  }
0x6f: {  	_ =	shalt  }
0x70: {  	_ =	shalt  }
0x71: {  	_ =	shalt  }
0x72: {  	_ =	shalt  }
0x73: {  	_ =	shalt  }
0x74: {  	_ =	shalt  }
0x75: {  	_ =	shalt  }
0x76: {  	_ =	shalt  }
0x77: {  	_ =	shalt  }
0x78: {  	_ =	shalt  }
0x79: {  	_ =	shalt  }
0x7a: {  	_ =	shalt  }
0x7b: {  	_ =	shalt  }
0x7c: {  	_ =	shalt  }
0x7d: {  	_ =	shalt  }
0x7e: {  	_ =	shalt  }
0x7f: {  	_ =	shalt  }
0x80: {  	_ =	shalt  }
0x81: {  	_ =	shalt  }
0x82: {  	_ =	shalt  }
0x83: {  	_ =	shalt  }
0x84: {  	_ =	shalt  }
0x85: {  	_ =	shalt  }
0x86: {  	_ =	shalt  }
0x87: {  	_ =	shalt  }
.Lfunc_end0:
.L_simem_size_0:
called_computation_lowered:
.L_overlay_start_0:
0x88: {  	s2 =	sld [smem:$0x3FD9]  }
0x89: {  	s3 =	sld [smem:$0x3FFE];
	_ =	sdelay $0x1  }
0x8a: {  	s1 =	srdreg.scid  }
0x8b: {  	s0 =	sand.u32 $0x1, s1  }
0x8c: {  	s16 =	sshll.u32 s0, $0xA;
	s2 =	sadd.s32 s3, s2  }
0x8d: {  	s2 =	sadd.s32 s2, s16  }
0x8e: {  	[smem:$0x3FC4] =	sst s2  }
0x8f: {  	_ = 	snop  }
0x90: {  	(tm) =	ssettm $0x1  }
0x91: {  	s17 =	sld [smem:$0x3FFB];
	_ =	sdelay $0x3  }
0x92: {  	_ =	strace s17  }
0x93: {  	s2 =	sld [smem:$0x3FFC];
	_ =	sdelay $0x3  }
0x94: {  	_ =	strace s2  }
0x95: {  	s2 =	sld [smem:$0x3FFD];
	_ =	sdelay $0x3  }
0x96: {  	_ =	strace s2  }
0x97: {  	_ =	strace $0x8FFFFFFF  }
0x98: {  	s18 =	sld [smem:$0x3FDB];
	_ =	sdelay $0x1  }
0x99: {  	s19 =	simm.s32 $_scs_section_size  }
0x9a: {  	s4 =	simm.s32 $_size__tile_overlayer_lowered;
	s5 =	simm.s32 $_tile_overlayer_lowered  }
0x9b: {  	s22 =	simm.s32 $0x1BFF;
	s21 =	sshll.u32 s5, $0x1;
	s2 =	sadd.s32 s19, s18  }
0x9c: {  	s6 =	simm.s32 $0x0;
	s20 =	sshll.u32 s4, $0x1;
	s4 =	sadd.s32 s21, s2  }
0x9d: {  	[timem:s6], [sflag:s22] =	dma.local [hbm:s4], s20  }
0x9e: {  	_ =	swait.ge [sflag:s22], s20  }
0x9f: {  	s3 =	ssub.s32 $0x0, s20;
	[sflag:s22] =	ssyncset.done $0x0  }
0xa0: {  	[sflag:s22] =	ssyncadd.s32 s3;
	_ =	sdelay $0x1  }
0xa1: {  	s23 =	simm.s32 $0x1B8B  }
0xa2: {  	_ =	swait.ge [sflag:s23], $0x1  }
0xa3: {  	[sflag:s23] =	ssyncset.done $0x0  }
0xa4: {  	s25 =	simm.s32 $0x1B8E;
	s24 =	sld [smem:$0x3FFE];
	[sflag:s23] =	ssyncadd.s32 $0xFFFFFFFF  }
0xa5: {  	s26 =	simm.s32 $execute0_lowered;
	[smem:$0x3FD2] =	sst s25  }
0xa6: {  	s4 =	sshll.u32 s26, $0x1;
	_ =	strace $0x80000046;
	[dreg:$0x1] =	wrdreg $0xFFFFFFFF  }
0xa7: {  	s28 =	simm.s32 $_size_execute0_lowered;
	s2 =	sadd.s32 s2, s4;
	[dreg:$0x0] =	wrdreg $0x0  }
0xa8: {  	s4 =	sshll.u32 s28, $0x1;
	[dreg:$0x2] =	wrdreg s2  }
0xa9: {  	[dreg:$0x3] =	wrdreg s4  }
0xaa: {  	[dreg:$0x4] =	wrdreg $0xC0  }
0xab: {  	_ =	task [dreg:s6], $0x5FFFF  }
0xac: {  	[dreg:$0x1] =	wrdreg $0xFFFFFFFF  }
0xad: {  	[dreg:$0x0] =	wrdreg $0x60  }
0xae: {  	[dreg:$0x2] =	wrdreg s24  }
0xaf: {  	[dreg:$0x3] =	wrdreg $0x9  }
0xb0: {  	_ =	task.clear_ibuf [dreg:s6], $0x4FFFF;
	_ =	strace $0x90000046  }
0xb1: {  	s29 =	simm.s32 $0x9;
	_ =	strace $0x80000048  }
0xb2: {  	_ =	swait.ge [sflag:s29], $0x1  }
0xb3: {  	[sflag:s29] =	ssyncadd.s32 $0xFFFFFFFF  }
0xb4: {  	_ =	strace $0x90000048  }
0xb5: {  	_ =	sfence  }
0xb6: {  	s30 =	sld [smem:$0x0];
	_ =	sdelay $0x2  }
0xb7: {  	s31 =	sshll.u32 s1, $0xD;
	s1 =	sshrl.u32 s1, $0x2  }
0xb8: {  	s3 =	sand.u32 $0x4000, s31;
	s1 =	sadd.s32 s1, s30  }
0xb9: {  	s0 =	sor.u32 s3, s0;
	s1 =	sshll.u32 s1, $0x11  }
0xba: {  	s0 =	sor.u32 s1, s0  }
0xbb: {  	s0 =	sadd.s32 $0x8F2B, s0  }
0xbc: {  	[sflag:s0] =	ssyncadd.remote.s32 $0x1  }
0xbd: {  	_ =	sfence.sel $0xFFFF  }
0xbe: {  	[dreg:$0x0] =	wrdreg $0xFFFFFFFF;
	(pc) =	sbr.abs _section_cstart, $3  }
0xbf: {  	[dreg:$0x1] =	wrdreg $0xFFFFFFFF  }
0xc0: {  	_ =	task.clear_ibuf [dreg:s6], $0x2FFFF;
	_ =	strace $0x9FFFFFFF  }
0xc1: {  	(tm) =	ssettm $0x7FFFFFFF  }
tec
execute0_lowered:
.L_overlay_start_1:
0x0: {  	(tag) =	ssettag $0x1  }
0x1: {  	s4 =	rddreg [dreg:$0x0]  }
0x2: {  	s0 =	rddreg [dreg:$0x1]  }
0x3: {  	s3 =	srdreg.scid;
	s1 =	stileid.u32;
	s2 =	simm.s32 $0x0  }
0x4: {  	s9 =	simm.s32 $0x6400;
	s10 =	simm.s32 $0xC800;
	s11 =	simm.s32 $0x12C00  }
0x5: {  	s12 =	simm.s32 $0x1;
	s5 =	sand.u32 $0x1, s3;
	s30 =	sshll.u32 s1, $0x1  }
0x6: {  	s13 =	simm.s32 $0x19000;
	s14 =	simm.s32 $0x0;
	s6 =	sor.u32 s5, s30  }
0x7: {  	[smem:$0x7FF] =	sst s2;
	s3 =	sadd.s32 $0x600, s4;
	s7 =	smul.u32 $0xC80, s6  }
0x8: {  	_ =	strace $0x80000047;
	s5 =	ssub.s32 $0x2, s5;
	s6 =	sshll.u32 s6, $0x4  }
0x9: {  	s31 =	sshrl.u32 s5, $0x1;
	s6 =	sadd.s32 s6, s4;
	s7 =	sadd.s32 s7, s4  }
0xa: {  	s8 =	ssub.s32 s5, s31;
	s6 =	sadd.s32 $0x51000, s6;
	s4 =	sadd.s32 $0x1F000, s7  }
0xb: {  	s5 =	sadd.s32 $0x38000, s7;
	s7 =	smax.u32 s8, $0x1;
	s8 =	simm.s32 $0x2  }
.LBB2_1:
0xc: {  	[tilespmem:s2], [sflag:$0x2] =	stream.linear.gather [hbm4b:s4+s2], $0x6400, $0x38;
	[tilespmem:$0x19080] =	vst v63  }
0xd: {  	_ =	swait.ge [sflag:s8], $0x6400  }
0xe: {  	[sflag:s8] =	ssyncset.done $0x0  }
0xf: {  	[sflag:s8] =	ssyncadd.s32 $0xFFFF9C00  }
0x10: {  	[tilespmem:s9], [sflag:$0x2] =	stream.linear.gather [hbm4b:s5+s2], $0x6400, $0x38;
	[tilespmem:$0x19080] =	vst v63  }
0x11: {  	_ =	swait.ge [sflag:s8], $0x6400  }
0x12: {  	[sflag:s8] =	ssyncset.done $0x0  }
0x13: {  	[sflag:s8] =	ssyncadd.s32 $0xFFFF9C00  }
0x14: {  	[tilespmem:s10], [sflag:$0x1] =	stream.indirect.gather [hbm4b:s3+s9], $0x1, s2, s9, $0xb8;
	[tilespmem:$0x19080] =	vst v63  }
0x15: {  	_ = 	snop  }
0x16: {  	[tilespmem:s11], [sflag:$0x1] =	stream.indirect.gather [hbm4b:s3+s9], $0x1, s9, s9, $0xb8;
	[tilespmem:$0x19080] =	vst v63  }
0x17: {  	_ =	swait.ge [sflag:s12], $0x6400  }
0x18: {  	[sflag:s12] =	ssyncset.done $0x0  }
0x19: {  	[sflag:s12] =	ssyncadd.s32 $0xFFFF9C00  }
0x1a: {  	_ =	swait.ge [sflag:s12], $0x6400  }
0x1b: {  	[sflag:s12] =	ssyncset.done $0x0  }
0x1c: {  	s15 =	simm.s32 $0x0;
	[sflag:s12] =	ssyncadd.s32 $0xFFFF9C00  }
0x1d: {  	v0 =	vld [tilespmem:s15+$0xC800]  }
0x1e: {  	v1 =	vld [tilespmem:s15+$0x12C00];
	_ =	sdelay $0x3  }
0x1f: {  	s16 =	simm.s32 $0x10  }
0x20: {  	v2 =	vld [tilespmem:s16+$0x12C00];
	v0 =	vadd.f32 v1, v0  }
0x21: {  	v1 =	vld [tilespmem:s16+$0xC800]  }
0x22: {  	v3 =	vsub.f32 $1.000000000e+00, v0;
	_ =	sdelay $0x1  }
0x23: {  	s15 =	simm.s32 $0x80;
	v0 =	vimm.f32 $0.0e+00;
	v3 =	vmax.f32 v3, $0.0e+00  }
.LBB2_2:
0x24: {  	s16 =	sshra.s32 s15, $0x2;
	v0 =	vadd.f32 v3, v0;
	p0 =	sne.s32 s15, $0x18FC0  }
.Ltmp0:
0x25: {  	s15 =	sadd.s32 $0x40, s15;
	v3 =	vadd.f32 v2, v1;
	v1 =	vld [tilespmem:s16+$0xC800];
	(pc) =	sbr.rel @p0 .LBB2_2-.Ltmp0, $3  }
0x26: {  	v2 =	vld [tilespmem:s16+$0x12C00]  }
0x27: {  	v3 =	vsub.f32 $1.000000000e+00, v3;
	_ =	sdelay $0x1  }
0x28: {  	v3 =	vmax.f32 v3, $0.0e+00  }
0x29: {  	_ = 	snop  }
0x2a: {  	v1 =	vadd.f32 v2, v1;
	_ =	sdelay $0x1  }
0x2b: {  	v1 =	vsub.f32 $1.000000000e+00, v1  }
0x2c: {  	v0 =	vadd.f32 v3, v0  }
0x2d: {  	v1 =	vmax.f32 v1, $0.0e+00  }
0x2e: {  	s14 =	sadd.s32 $0x1, s14;
	v0 =	vadd.f32 v1, v0  }
0x2f: {  	p0 =	sne.s32 s14, s7  }
.Ltmp1:
0x30: {  	[tilespmem:$0x19000] =	vst v0;
	(pc) =	sbr.rel @p0 .LBB2_1-.Ltmp1, $4  }
0x31: {  	[hbm4b:s6+s2] =	stream.linear.scatter [tilespmem:s13], [sflag:$0x2], $0x80, $0x38;
	[tilespmem:$0x19080] =	vst v63  }
0x32: {  	_ =	swait.ge [sflag:s8], $0x80  }
0x33: {  	[sflag:s8] =	ssyncset.done $0x0  }
0x34: {  	[sflag:s8] =	ssyncadd.s32 $0xFFFFFF80  }
0x35: {  	_ =	sfence.sel $0x180000  }
0x36: {  	[bflag:$0x0] =	sbarrier.arrive $0xFFFF  }
0x37: {  	p0 =	sne.s32 s1, $0x0;
	_ =	strace $0x90000047  }
0x38: {  	s0 =	sadd.s32 @!p0 $0x100000, s0;
	[bflag:$0x2] =	sbarrier.arrive $0xFFFF  }
0x39: {  	[sflag:s0] =	ssyncadd.tile.s32 @!p0 $0x1;
	_ =	shalt  }
.Lfunc_end2:
_tile_overlayer_lowered:
.L_overlay_start_2:
0x3a: {  	(tag) =	ssettag $0x2  }
0x3b: {  	s0 =	rddreg [dreg:$0x0];
	s2 =	stileid.u32  }
0x3c: {  	s1 =	rddreg [dreg:$0x1];
	p0 =	sne.s32 s2, $0x0  }
0x3d: {  	s3 =	rddreg [dreg:$0x2];
	[bflag:$0x3] =	sbarrier.arrive $0xFFFF;
	s2 =	simm.s32 @!p0 $0x1C02  }
0x3e: {  	[timem:s3], [sflag:s2] =	dma.local @!p0 [hbm:s0], s1  }
0x3f: {  	s0 =	simm.s32 @!p0 $0x2  }
0x40: {  	_ =	swait.ge @!p0 [sflag:s0], s1  }
0x41: {  	s1 =	ssub.s32 @!p0 $0x0, s1;
	[sflag:s0] =	ssyncset.done @!p0 $0x0  }
0x42: {  	[sflag:s0] =	ssyncadd.s32 @!p0 s1  }
0x43: {  	[bflag:$0x3] =	sbarrier.arrive $0xFFFF  }
0x44: {  	_ =	shalt  }

</sc_bundles>
